<compile_context>
chip_gen: v7x
topology: tpu7x:2x2x1
jax: 0.10.2.dev20260603
libtpu: 0.0.44.dev20260713+nightly
codegen_flags: <defaults>
</compile_context>

<pallas_src>
import jax
import jax.numpy as jnp
from jax import lax
from jax.experimental import pallas as pl
from jax.experimental.pallas import tpu as pltpu
from jax.experimental.pallas import tpu_sc as plsc

N = 100000
D = 128
G = 512
RB = 2000
NSTEP = N // RB

NW = 32
P = 3136
NPAD = NW * P
CH = P // 16
BINS = G + 16


def _rowval_body(x_ref, g_ref, wt_ref, o_ref):
    xb = x_ref[...]
    u = g_ref[...] * wt_ref[...]
    su = jnp.sum(u)
    up = (u - su * (1.0 / D)) * (D ** 0.5)
    s1 = jnp.sum(xb, axis=1, keepdims=True)
    s2 = jnp.sum(xb * xb, axis=1, keepdims=True)
    sdc = jnp.sum(xb * up, axis=1, keepdims=True)
    denom = s2 - s1 * s1 * (1.0 / D) + (D * 1e-5)
    o_ref[...] = sdc * lax.rsqrt(denom)


_rowval_call = pl.pallas_call(
    _rowval_body,
    grid=(NSTEP,),
    in_specs=[
        pl.BlockSpec((RB, D), lambda i: (i, 0)),
        pl.BlockSpec((1, D), lambda i: (0, 0)),
        pl.BlockSpec((1, D), lambda i: (0, 0)),
    ],
    out_specs=pl.BlockSpec((RB, 1), lambda i: (i, 0)),
    out_shape=jax.ShapeDtypeStruct((NPAD, 1), jnp.float32),
)


def _sc_seg_body(rv_hbm, idx_hbm, sums_out, cnts_out, rv_v, idx_v, sums_v, cnts_v):
    wid = lax.axis_index("s") * 2 + lax.axis_index("c")
    base = wid * P
    pltpu.sync_copy(rv_hbm.at[pl.ds(base, P)], rv_v)
    pltpu.sync_copy(idx_hbm.at[pl.ds(base, P)], idx_v)

    z16 = jnp.zeros((16,), jnp.float32)
    one16 = jnp.ones((16,), jnp.float32)

    def zero_body(j, carry):
        sums_v[pl.ds(j * 16, 16)] = z16
        cnts_v[pl.ds(j * 16, 16)] = z16
        return carry

    lax.fori_loop(0, BINS // 16, zero_body, 0)

    def body(k, carry):
        off = k * 16
        rvv = rv_v[pl.ds(off, 16)]
        sg = idx_v[pl.ds(off, 16)]
        plsc.addupdate_scatter(sums_v, [sg], rvv)
        plsc.addupdate_scatter(cnts_v, [sg], one16)
        return carry

    lax.fori_loop(0, CH, body, 0)

    pltpu.sync_copy(sums_v.at[pl.ds(0, G)], sums_out.at[wid])
    pltpu.sync_copy(cnts_v.at[pl.ds(0, G)], cnts_out.at[wid])


def _sc_seg_call():
    return pl.kernel(
        _sc_seg_body,
        out_type=(jax.ShapeDtypeStruct((NW, G), jnp.float32),
                  jax.ShapeDtypeStruct((NW, G), jnp.float32)),
        mesh=plsc.VectorSubcoreMesh(core_axis_name="c", subcore_axis_name="s"),
        compiler_params=pltpu.CompilerParams(needs_layout_passes=False),
        scratch_types=[
            pltpu.VMEM((P,), jnp.float32),
            pltpu.VMEM((P,), jnp.int32),
            pltpu.VMEM((BINS,), jnp.float32),
            pltpu.VMEM((BINS,), jnp.float32),
        ],
    )


def _epilogue_body(s_ref, c_ref, bt_ref, wt_ref, b_ref, o_ref):
    c = jnp.sum(bt_ref[...] * wt_ref[...])
    s = jnp.sum(s_ref[...], axis=0, keepdims=True)
    cc = jnp.sum(c_ref[...], axis=0, keepdims=True)
    mean = s / jnp.maximum(cc, 1.0)
    o_ref[...] = mean + jnp.where(cc > 0.0, c, 0.0) + b_ref[...]


_epilogue_call = pl.pallas_call(
    _epilogue_body,
    out_shape=jax.ShapeDtypeStruct((1, G), jnp.float32),
)


@jax.jit
def kernel(x, batch_idx, y, ln_gamma, ln_beta, W, b):
    g2 = ln_gamma.reshape(1, D)
    bt2 = ln_beta.reshape(1, D)
    wt2 = W.reshape(1, D)

    rv = _rowval_call(x, g2, wt2)
    idx_p = jnp.pad(batch_idx.astype(jnp.int32), (0, NPAD - N),
                    constant_values=G)

    sums, cnts = _sc_seg_call()(rv.reshape(-1), idx_p)

    bb = jnp.broadcast_to(b.reshape(1, 1), (1, G))
    pred2 = _epilogue_call(sums, cnts, bt2, wt2, bb)
    return (pred2.reshape(G, 1), y)

# --- scband reference (transcript-rebuilt; emitter-appended) ---
"""Pipeline reference for scband-graphormer-head-64235530879067 (READ-ONLY COPY).

The authoritative reference and input builder live on the scoring server;
editing this copy changes nothing except your own understanding.
"""

import jax, jax.numpy as jnp
import numpy as np

NUM_NODES = 100000
DIM_IN = 128
DIM_OUT = 1
NUM_GRAPHS = 512

def setup_inputs(seed: int = 0) -> dict:
    key = jax.random.key(seed)
    k1, k2, k3, k4, k5 = jax.random.split(key, 5)
    x = jax.random.normal(k1, (NUM_NODES, DIM_IN), dtype=jnp.float32)
    batch_idx = jnp.sort(jax.random.randint(k2, (NUM_NODES,), 0, NUM_GRAPHS, dtype=jnp.int64))
    y = jax.random.normal(k3, (NUM_GRAPHS, DIM_OUT), dtype=jnp.float32)
    ln_gamma = jnp.ones((DIM_IN,), dtype=jnp.float32)
    ln_beta = jnp.zeros((DIM_IN,), dtype=jnp.float32)
    W = jax.random.normal(k4, (DIM_IN, DIM_OUT), dtype=jnp.float32) * (1.0 / np.sqrt(DIM_IN))
    b = jnp.zeros((DIM_OUT,), dtype=jnp.float32)
    return {"x": x, "batch_idx": batch_idx, "y": y, "ln_gamma": ln_gamma, "ln_beta": ln_beta, "W": W, "b": b}

def reference(x, batch_idx, y, ln_gamma, ln_beta, W, b):
    # LayerNorm over last dim (eps=1e-5, elementwise affine)
    mean = jnp.mean(x, axis=-1, keepdims=True)
    var = jnp.mean((x - mean) ** 2, axis=-1, keepdims=True)
    xn = (x - mean) / jnp.sqrt(var + 1e-5)
    xn = xn * ln_gamma + ln_beta
    # global mean pooling per graph (segment mean)
    seg_sum = jax.ops.segment_sum(xn, batch_idx, num_segments=NUM_GRAPHS)
    counts = jax.ops.segment_sum(jnp.ones((x.shape[0],), dtype=jnp.float32), batch_idx, num_segments=NUM_GRAPHS)
    graph_emb = seg_sum / jnp.maximum(counts, 1.0)[:, None]
    # final linear layer
    pred = graph_emb @ W + b
    return (pred, y)

if __name__ == "__main__":
    import jax
    _d = setup_inputs()
    print(jax.jit(kernel)(*tuple(_d.values())))

</pallas_src>

<mosaic_0001>
#map = affine_map<(d0, d1) -> (0)>
#map1 = affine_map<(d0, d1) -> (0, 0)>
module attributes {stable_mosaic.version = 14 : i64} {
  func.func @_sc_seg_body(%arg0: i32, %arg1: i32, %arg2: memref<100352xf32, #tpu.memory_space<hbm>>, %arg3: memref<100352xi32, #tpu.memory_space<hbm>>, %arg4: memref<32x512xf32, #tpu.memory_space<hbm>>, %arg5: memref<32x512xf32, #tpu.memory_space<hbm>>, %arg6: memref<3136xf32, #tpu.memory_space<vmem>>, %arg7: memref<3136xi32, #tpu.memory_space<vmem>>, %arg8: memref<528xf32, #tpu.memory_space<vmem>>, %arg9: memref<528xf32, #tpu.memory_space<vmem>>) attributes {dimension_semantics = [#tpu.dimension_semantics<core_parallel>, #tpu.dimension_semantics<subcore_parallel>], iteration_bounds = array<i64: 2, 16>, scalar_prefetch = 0 : i64, scratch_operands = 4 : i64, tpu.core_type = #tpu.core_type<sc_vector_subcore>, window_params = [{transform_indices = #map}, {transform_indices = #map}, {transform_indices = #map1}, {transform_indices = #map1}]} {
    %mul3A = arith.constant 2 : i32
    %mul3A_0 = arith.muli %arg1, %mul3A : i32
    %add3A = arith.addi %mul3A_0, %arg0 : i32
    %mul3A_1 = arith.constant 3136 : i32
    %mul3A_2 = arith.muli %add3A, %mul3A_1 : i32
    "tpu.region"() ({
      %run_scoped3A = tpu.sem_alloc : memref<!tpu.dma_semaphore, #tpu.memory_space<semaphore_mem>>
      %dma_start3A = tpu.memref_slice %arg2[%mul3A_2] : memref<100352xf32, #tpu.memory_space<hbm>> -> memref<3136xf32, #tpu.memory_space<hbm>>
      %dma_start3A_17 = tpu.memref_slice %arg2[%mul3A_2] : memref<100352xf32, #tpu.memory_space<hbm>> -> memref<3136xf32, #tpu.memory_space<hbm>>
      tpu.enqueue_dma source(%dma_start3A_17 : memref<3136xf32, #tpu.memory_space<hbm>>) target(%arg6 : memref<3136xf32, #tpu.memory_space<vmem>>) target_semaphore(%run_scoped3A : memref<!tpu.dma_semaphore, #tpu.memory_space<semaphore_mem>>)
      %dma_wait3A = tpu.memref_slice %arg2[%mul3A_2] : memref<100352xf32, #tpu.memory_space<hbm>> -> memref<3136xf32, #tpu.memory_space<hbm>>
      %dma_wait3A_18 = tpu.memref_slice %arg2[%mul3A_2] : memref<100352xf32, #tpu.memory_space<hbm>> -> memref<3136xf32, #tpu.memory_space<hbm>>
      tpu.wait_dma2 semaphore(%run_scoped3A : memref<!tpu.dma_semaphore, #tpu.memory_space<semaphore_mem>>) src(%dma_wait3A_18 : memref<3136xf32, #tpu.memory_space<hbm>>) dst(%arg6 : memref<3136xf32, #tpu.memory_space<vmem>>)
      tpu.yield
    }) : () -> ()
    "tpu.region"() ({
      %run_scoped3A = tpu.sem_alloc : memref<!tpu.dma_semaphore, #tpu.memory_space<semaphore_mem>>
      %dma_start3A = tpu.memref_slice %arg3[%mul3A_2] : memref<100352xi32, #tpu.memory_space<hbm>> -> memref<3136xi32, #tpu.memory_space<hbm>>
      %dma_start3A_17 = tpu.memref_slice %arg3[%mul3A_2] : memref<100352xi32, #tpu.memory_space<hbm>> -> memref<3136xi32, #tpu.memory_space<hbm>>
      tpu.enqueue_dma source(%dma_start3A_17 : memref<3136xi32, #tpu.memory_space<hbm>>) target(%arg7 : memref<3136xi32, #tpu.memory_space<vmem>>) target_semaphore(%run_scoped3A : memref<!tpu.dma_semaphore, #tpu.memory_space<semaphore_mem>>)
      %dma_wait3A = tpu.memref_slice %arg3[%mul3A_2] : memref<100352xi32, #tpu.memory_space<hbm>> -> memref<3136xi32, #tpu.memory_space<hbm>>
      %dma_wait3A_18 = tpu.memref_slice %arg3[%mul3A_2] : memref<100352xi32, #tpu.memory_space<hbm>> -> memref<3136xi32, #tpu.memory_space<hbm>>
      tpu.wait_dma2 semaphore(%run_scoped3A : memref<!tpu.dma_semaphore, #tpu.memory_space<semaphore_mem>>) src(%dma_wait3A_18 : memref<3136xi32, #tpu.memory_space<hbm>>) dst(%arg7 : memref<3136xi32, #tpu.memory_space<vmem>>)
      tpu.yield
    }) : () -> ()
    %broadcast_in_dim3A = arith.constant 0.000000e+00 : f32
    %broadcast_in_dim3A_3 = vector.broadcast %broadcast_in_dim3A : f32 to vector<16xf32>
    %broadcast_in_dim3A_4 = arith.constant 1.000000e+00 : f32
    %broadcast_in_dim3A_5 = vector.broadcast %broadcast_in_dim3A_4 : f32 to vector<16xf32>
    %scan3A = arith.constant 0 : i32
    %scan3A_6 = arith.constant 0 : i32
    %scan3A_7 = arith.constant 33 : i32
    %scan3A_8 = arith.addi %scan3A_6, %scan3A_7 : i32
    %scan3A_9 = arith.constant 1 : i32
    scf.for %scan3A_17 = %scan3A_6 to %scan3A_8 step %scan3A_9  : i32 {
      %mul3A_18 = arith.constant 16 : i32
      %mul3A_19 = arith.muli %scan3A_17, %mul3A_18 : i32
      %swap3A = arith.index_cast %mul3A_19 : i32 to index
      %swap3A_20 = tpu.vector_load %arg8[%swap3A] {strides = array<i32>} : memref<528xf32, #tpu.memory_space<vmem>>, vector<16xf32>,
      tpu.vector_store %arg8[%swap3A], %broadcast_in_dim3A_3 {strides = array<i32>} : memref<528xf32, #tpu.memory_space<vmem>>, vector<16xf32>,
      %mul3A_21 = arith.constant 16 : i32
      %mul3A_22 = arith.muli %scan3A_17, %mul3A_21 : i32
      %swap3A_23 = arith.index_cast %mul3A_22 : i32 to index
      %swap3A_24 = tpu.vector_load %arg9[%swap3A_23] {strides = array<i32>} : memref<528xf32, #tpu.memory_space<vmem>>, vector<16xf32>,
      tpu.vector_store %arg9[%swap3A_23], %broadcast_in_dim3A_3 {strides = array<i32>} : memref<528xf32, #tpu.memory_space<vmem>>, vector<16xf32>,
    }
    %scan3A_10 = arith.constant 33 : i32
    %scan3A_11 = arith.constant 0 : i32
    %scan3A_12 = arith.constant 0 : i32
    %scan3A_13 = arith.constant 196 : i32
    %scan3A_14 = arith.addi %scan3A_12, %scan3A_13 : i32
    %scan3A_15 = arith.constant 1 : i32
    scf.for %scan3A_17 = %scan3A_12 to %scan3A_14 step %scan3A_15  : i32 {
      %mul3A_18 = arith.constant 16 : i32
      %mul3A_19 = arith.muli %scan3A_17, %mul3A_18 : i32
      %get3A = arith.index_cast %mul3A_19 : i32 to index
      %get3A_20 = tpu.vector_load %arg6[%get3A] {strides = array<i32>} : memref<3136xf32, #tpu.memory_space<vmem>>, vector<16xf32>,
      %get3A_21 = arith.index_cast %mul3A_19 : i32 to index
      %get3A_22 = tpu.vector_load %arg7[%get3A_21] {strides = array<i32>} : memref<3136xi32, #tpu.memory_space<vmem>>, vector<16xi32>,
      tpu.vector_store_idx %arg8[%get3A_22], %get3A_20 {add = true} : memref<528xf32, #tpu.memory_space<vmem>>[vector<16xi32>], vector<16xf32>,
      tpu.vector_store_idx %arg9[%get3A_22], %broadcast_in_dim3A_5 {add = true} : memref<528xf32, #tpu.memory_space<vmem>>[vector<16xi32>], vector<16xf32>,
    }
    %scan3A_16 = arith.constant 196 : i32
    "tpu.region"() ({
      %run_scoped3A = tpu.sem_alloc : memref<!tpu.dma_semaphore, #tpu.memory_space<semaphore_mem>>
      %dma_start3A = arith.constant 0 : i32
      %dma_start3A_17 = tpu.memref_slice %arg8[%dma_start3A] : memref<528xf32, #tpu.memory_space<vmem>> -> memref<512xf32, #tpu.memory_space<vmem>>
      %dma_start3A_18 = arith.constant 0 : i32
      %dma_start3A_19 = tpu.memref_slice %arg4[%add3A, %dma_start3A_18] : memref<32x512xf32, #tpu.memory_space<hbm>> -> memref<1x512xf32, #tpu.memory_space<hbm>>
      %dma_start3A_20 = tpu.memref_squeeze %dma_start3A_19 : memref<1x512xf32, #tpu.memory_space<hbm>> -> memref<512xf32, #tpu.memory_space<hbm>>
      %dma_start3A_21 = arith.constant 0 : i32
      %dma_start3A_22 = tpu.memref_slice %arg4[%add3A, %dma_start3A_21] : memref<32x512xf32, #tpu.memory_space<hbm>> -> memref<1x512xf32, #tpu.memory_space<hbm>>
      %dma_start3A_23 = tpu.memref_squeeze %dma_start3A_22 : memref<1x512xf32, #tpu.memory_space<hbm>> -> memref<512xf32, #tpu.memory_space<hbm>>
      %dma_start3A_24 = arith.constant 0 : i32
      %dma_start3A_25 = tpu.memref_slice %arg8[%dma_start3A_24] : memref<528xf32, #tpu.memory_space<vmem>> -> memref<512xf32, #tpu.memory_space<vmem>>
      tpu.enqueue_dma source(%dma_start3A_25 : memref<512xf32, #tpu.memory_space<vmem>>) target(%dma_start3A_23 : memref<512xf32, #tpu.memory_space<hbm>>) target_semaphore(%run_scoped3A : memref<!tpu.dma_semaphore, #tpu.memory_space<semaphore_mem>>)
      %dma_wait3A = arith.constant 0 : i32
      %dma_wait3A_26 = tpu.memref_slice %arg8[%dma_wait3A] : memref<528xf32, #tpu.memory_space<vmem>> -> memref<512xf32, #tpu.memory_space<vmem>>
      %dma_wait3A_27 = arith.constant 0 : i32
      %dma_wait3A_28 = tpu.memref_slice %arg4[%add3A, %dma_wait3A_27] : memref<32x512xf32, #tpu.memory_space<hbm>> -> memref<1x512xf32, #tpu.memory_space<hbm>>
      %dma_wait3A_29 = tpu.memref_squeeze %dma_wait3A_28 : memref<1x512xf32, #tpu.memory_space<hbm>> -> memref<512xf32, #tpu.memory_space<hbm>>
      %dma_wait3A_30 = arith.constant 0 : i32
      %dma_wait3A_31 = tpu.memref_slice %arg4[%add3A, %dma_wait3A_30] : memref<32x512xf32, #tpu.memory_space<hbm>> -> memref<1x512xf32, #tpu.memory_space<hbm>>
      %dma_wait3A_32 = tpu.memref_squeeze %dma_wait3A_31 : memref<1x512xf32, #tpu.memory_space<hbm>> -> memref<512xf32, #tpu.memory_space<hbm>>
      %dma_wait3A_33 = arith.constant 0 : i32
      %dma_wait3A_34 = tpu.memref_slice %arg8[%dma_wait3A_33] : memref<528xf32, #tpu.memory_space<vmem>> -> memref<512xf32, #tpu.memory_space<vmem>>
      tpu.wait_dma2 semaphore(%run_scoped3A : memref<!tpu.dma_semaphore, #tpu.memory_space<semaphore_mem>>) src(%dma_wait3A_34 : memref<512xf32, #tpu.memory_space<vmem>>) dst(%dma_wait3A_32 : memref<512xf32, #tpu.memory_space<hbm>>)
      tpu.yield
    }) : () -> ()
    "tpu.region"() ({
      %run_scoped3A = tpu.sem_alloc : memref<!tpu.dma_semaphore, #tpu.memory_space<semaphore_mem>>
      %dma_start3A = arith.constant 0 : i32
      %dma_start3A_17 = tpu.memref_slice %arg9[%dma_start3A] : memref<528xf32, #tpu.memory_space<vmem>> -> memref<512xf32, #tpu.memory_space<vmem>>
      %dma_start3A_18 = arith.constant 0 : i32
      %dma_start3A_19 = tpu.memref_slice %arg5[%add3A, %dma_start3A_18] : memref<32x512xf32, #tpu.memory_space<hbm>> -> memref<1x512xf32, #tpu.memory_space<hbm>>
      %dma_start3A_20 = tpu.memref_squeeze %dma_start3A_19 : memref<1x512xf32, #tpu.memory_space<hbm>> -> memref<512xf32, #tpu.memory_space<hbm>>
      %dma_start3A_21 = arith.constant 0 : i32
      %dma_start3A_22 = tpu.memref_slice %arg5[%add3A, %dma_start3A_21] : memref<32x512xf32, #tpu.memory_space<hbm>> -> memref<1x512xf32, #tpu.memory_space<hbm>>
      %dma_start3A_23 = tpu.memref_squeeze %dma_start3A_22 : memref<1x512xf32, #tpu.memory_space<hbm>> -> memref<512xf32, #tpu.memory_space<hbm>>
      %dma_start3A_24 = arith.constant 0 : i32
      %dma_start3A_25 = tpu.memref_slice %arg9[%dma_start3A_24] : memref<528xf32, #tpu.memory_space<vmem>> -> memref<512xf32, #tpu.memory_space<vmem>>
      tpu.enqueue_dma source(%dma_start3A_25 : memref<512xf32, #tpu.memory_space<vmem>>) target(%dma_start3A_23 : memref<512xf32, #tpu.memory_space<hbm>>) target_semaphore(%run_scoped3A : memref<!tpu.dma_semaphore, #tpu.memory_space<semaphore_mem>>)
      %dma_wait3A = arith.constant 0 : i32
      %dma_wait3A_26 = tpu.memref_slice %arg9[%dma_wait3A] : memref<528xf32, #tpu.memory_space<vmem>> -> memref<512xf32, #tpu.memory_space<vmem>>
      %dma_wait3A_27 = arith.constant 0 : i32
      %dma_wait3A_28 = tpu.memref_slice %arg5[%add3A, %dma_wait3A_27] : memref<32x512xf32, #tpu.memory_space<hbm>> -> memref<1x512xf32, #tpu.memory_space<hbm>>
      %dma_wait3A_29 = tpu.memref_squeeze %dma_wait3A_28 : memref<1x512xf32, #tpu.memory_space<hbm>> -> memref<512xf32, #tpu.memory_space<hbm>>
      %dma_wait3A_30 = arith.constant 0 : i32
      %dma_wait3A_31 = tpu.memref_slice %arg5[%add3A, %dma_wait3A_30] : memref<32x512xf32, #tpu.memory_space<hbm>> -> memref<1x512xf32, #tpu.memory_space<hbm>>
      %dma_wait3A_32 = tpu.memref_squeeze %dma_wait3A_31 : memref<1x512xf32, #tpu.memory_space<hbm>> -> memref<512xf32, #tpu.memory_space<hbm>>
      %dma_wait3A_33 = arith.constant 0 : i32
      %dma_wait3A_34 = tpu.memref_slice %arg9[%dma_wait3A_33] : memref<528xf32, #tpu.memory_space<vmem>> -> memref<512xf32, #tpu.memory_space<vmem>>
      tpu.wait_dma2 semaphore(%run_scoped3A : memref<!tpu.dma_semaphore, #tpu.memory_space<semaphore_mem>>) src(%dma_wait3A_34 : memref<512xf32, #tpu.memory_space<vmem>>) dst(%dma_wait3A_32 : memref<512xf32, #tpu.memory_space<hbm>>)
      tpu.yield
    }) : () -> ()
    return
  }
}

module attributes {stable_mosaic.version = 14 : i64} {
  func.func @_rowval_body(%arg0: i32, %arg1: memref<2000x128xf32, #tpu.memory_space<vmem>>, %arg2: memref<1x128xf32, #tpu.memory_space<vmem>>, %arg3: memref<1x128xf32, #tpu.memory_space<vmem>>, %arg4: memref<2000x1xf32, #tpu.memory_space<vmem>>) attributes {dimension_semantics = [#tpu.dimension_semantics<arbitrary>], iteration_bounds = array<i64: 50>, scalar_prefetch = 0 : i64, scratch_operands = 0 : i64, tpu.core_type = #tpu.core_type<tc>, window_params = [{transform_indices = @transform_0, window_bounds = array<i64: 2000, 128>}, {pipeline_mode = #tpu.pipeline_mode<synchronous>, transform_indices = @transform_1, window_bounds = array<i64: 1, 128>}, {pipeline_mode = #tpu.pipeline_mode<synchronous>, transform_indices = @transform_2, window_bounds = array<i64: 1, 128>}, {transform_indices = @transform_3, window_bounds = array<i64: 2000, 1>}]} {
    %get3A = arith.constant 0 : index
    %get3A_0 = arith.constant 0 : index
    %get3A_1 = vector.load %arg1[%get3A, %get3A_0] : memref<2000x128xf32, #tpu.memory_space<vmem>>, vector<2000x128xf32>
    %get3A_2 = arith.constant 0 : index
    %get3A_3 = arith.constant 0 : index
    %get3A_4 = vector.load %arg2[%get3A_2, %get3A_3] : memref<1x128xf32, #tpu.memory_space<vmem>>, vector<1x128xf32>
    %get3A_5 = arith.constant 0 : index
    %get3A_6 = arith.constant 0 : index
    %get3A_7 = vector.load %arg3[%get3A_5, %get3A_6] : memref<1x128xf32, #tpu.memory_space<vmem>>, vector<1x128xf32>
    %mul3A = arith.mulf %get3A_4, %get3A_7 : vector<1x128xf32>
    %reduce_sum3A = vector.shape_cast %mul3A : vector<1x128xf32> to vector<1x1x128xf32>
    %reduce_sum3A_8 = arith.constant dense<0.000000e+00> : vector<1xf32>
    %reduce_sum3A_9 = vector.multi_reduction <add>, %reduce_sum3A, %reduce_sum3A_8 [1, 2] : vector<1x1x128xf32> to vector<1xf32>
    %reduce_sum3A_10 = vector.shape_cast %reduce_sum3A_9 : vector<1xf32> to vector<1x1x1xf32>
    %reduce_sum3A_11 = vector.extract %reduce_sum3A_10[0, 0, 0] : f32 from vector<1x1x1xf32>
    %mul3A_12 = arith.constant 7.812500e-03 : f32
    %mul3A_13 = arith.mulf %reduce_sum3A_11, %mul3A_12 : f32
    %sub3A = vector.broadcast %mul3A_13 : f32 to vector<1x128xf32>
    %sub3A_14 = arith.subf %mul3A, %sub3A : vector<1x128xf32>
    %mul3A_15 = arith.constant 11.3137083 : f32
    %mul3A_16 = vector.broadcast %mul3A_15 : f32 to vector<1x128xf32>
    %mul3A_17 = arith.mulf %sub3A_14, %mul3A_16 : vector<1x128xf32>
    %reduce_sum3A_18 = arith.constant dense<0.000000e+00> : vector<2000xf32>
    %reduce_sum3A_19 = vector.multi_reduction <add>, %get3A_1, %reduce_sum3A_18 [1] : vector<2000x128xf32> to vector<2000xf32>
    %broadcast_in_dim3A = vector.shape_cast %reduce_sum3A_19 : vector<2000xf32> to vector<2000x1xf32>
    %mul3A_20 = arith.mulf %get3A_1, %get3A_1 : vector<2000x128xf32>
    %reduce_sum3A_21 = arith.constant dense<0.000000e+00> : vector<2000xf32>
    %reduce_sum3A_22 = vector.multi_reduction <add>, %mul3A_20, %reduce_sum3A_21 [1] : vector<2000x128xf32> to vector<2000xf32>
    %broadcast_in_dim3A_23 = vector.shape_cast %reduce_sum3A_22 : vector<2000xf32> to vector<2000x1xf32>
    %mul3A_24 = vector.broadcast %mul3A_17 : vector<1x128xf32> to vector<2000x128xf32>
    %mul3A_25 = arith.mulf %get3A_1, %mul3A_24 : vector<2000x128xf32>
    %reduce_sum3A_26 = arith.constant dense<0.000000e+00> : vector<2000xf32>
    %reduce_sum3A_27 = vector.multi_reduction <add>, %mul3A_25, %reduce_sum3A_26 [1] : vector<2000x128xf32> to vector<2000xf32>
    %broadcast_in_dim3A_28 = vector.shape_cast %reduce_sum3A_27 : vector<2000xf32> to vector<2000x1xf32>
    %mul3A_29 = arith.mulf %broadcast_in_dim3A, %broadcast_in_dim3A : vector<2000x1xf32>
    %mul3A_30 = arith.constant 7.812500e-03 : f32
    %mul3A_31 = vector.broadcast %mul3A_30 : f32 to vector<2000x1xf32>
    %mul3A_32 = arith.mulf %mul3A_29, %mul3A_31 : vector<2000x1xf32>
    %sub3A_33 = arith.subf %broadcast_in_dim3A_23, %mul3A_32 : vector<2000x1xf32>
    %add3A = arith.constant 1.280000e-03 : f32
    %add3A_34 = vector.broadcast %add3A : f32 to vector<2000x1xf32>
    %add3A_35 = arith.addf %sub3A_33, %add3A_34 : vector<2000x1xf32>
    %rsqrt3A = math.rsqrt %add3A_35 : vector<2000x1xf32>
    %mul3A_36 = arith.mulf %broadcast_in_dim3A_28, %rsqrt3A : vector<2000x1xf32>
    %swap3A = arith.constant 0 : index
    %swap3A_37 = arith.constant 0 : index
    %swap3A_38 = vector.load %arg4[%swap3A, %swap3A_37] : memref<2000x1xf32, #tpu.memory_space<vmem>>, vector<2000x1xf32>
    tpu.vector_store %arg4[%swap3A, %swap3A_37], %mul3A_36 {strides = array<i32>} : memref<2000x1xf32, #tpu.memory_space<vmem>>, vector<2000x1xf32>,
    return
  }
  func.func @transform_0(%arg0: i32) -> (i32, i32) {
    %c0_i32 = arith.constant 0 : i32
    %c0_i32_0 = arith.constant 0 : i32
    return %arg0, %c0_i32 : i32, i32
  }
  func.func @transform_1(%arg0: i32) -> (i32, i32) {
    %c0_i32 = arith.constant 0 : i32
    %c0_i32_0 = arith.constant 0 : i32
    %c0_i32_1 = arith.constant 0 : i32
    return %c0_i32, %c0_i32_0 : i32, i32
  }
  func.func @transform_2(%arg0: i32) -> (i32, i32) {
    %c0_i32 = arith.constant 0 : i32
    %c0_i32_0 = arith.constant 0 : i32
    %c0_i32_1 = arith.constant 0 : i32
    return %c0_i32, %c0_i32_0 : i32, i32
  }
  func.func @transform_3(%arg0: i32) -> (i32, i32) {
    %c0_i32 = arith.constant 0 : i32
    %c0_i32_0 = arith.constant 0 : i32
    return %arg0, %c0_i32 : i32, i32
  }
}

module attributes {stable_mosaic.version = 14 : i64} {
  func.func @_epilogue_body(%arg0: memref<32x512xf32, #tpu.memory_space<vmem>>, %arg1: memref<32x512xf32, #tpu.memory_space<vmem>>, %arg2: memref<1x128xf32, #tpu.memory_space<vmem>>, %arg3: memref<1x128xf32, #tpu.memory_space<vmem>>, %arg4: memref<1x512xf32, #tpu.memory_space<vmem>>, %arg5: memref<1x512xf32, #tpu.memory_space<vmem>>) attributes {dimension_semantics = [], scalar_prefetch = 0 : i64, scratch_operands = 0 : i64, tpu.core_type = #tpu.core_type<tc>} {
    %get3A = arith.constant 0 : index
    %get3A_0 = arith.constant 0 : index
    %get3A_1 = vector.load %arg2[%get3A, %get3A_0] : memref<1x128xf32, #tpu.memory_space<vmem>>, vector<1x128xf32>
    %get3A_2 = arith.constant 0 : index
    %get3A_3 = arith.constant 0 : index
    %get3A_4 = vector.load %arg3[%get3A_2, %get3A_3] : memref<1x128xf32, #tpu.memory_space<vmem>>, vector<1x128xf32>
    %mul3A = arith.mulf %get3A_1, %get3A_4 : vector<1x128xf32>
    %reduce_sum3A = vector.shape_cast %mul3A : vector<1x128xf32> to vector<1x1x128xf32>
    %reduce_sum3A_5 = arith.constant dense<0.000000e+00> : vector<1xf32>
    %reduce_sum3A_6 = vector.multi_reduction <add>, %reduce_sum3A, %reduce_sum3A_5 [1, 2] : vector<1x1x128xf32> to vector<1xf32>
    %reduce_sum3A_7 = vector.shape_cast %reduce_sum3A_6 : vector<1xf32> to vector<1x1x1xf32>
    %reduce_sum3A_8 = vector.extract %reduce_sum3A_7[0, 0, 0] : f32 from vector<1x1x1xf32>
    %get3A_9 = arith.constant 0 : index
    %get3A_10 = arith.constant 0 : index
    %get3A_11 = vector.load %arg0[%get3A_9, %get3A_10] : memref<32x512xf32, #tpu.memory_space<vmem>>, vector<32x512xf32>
    %reduce_sum3A_12 = arith.constant dense<0.000000e+00> : vector<512xf32>
    %reduce_sum3A_13 = vector.multi_reduction <add>, %get3A_11, %reduce_sum3A_12 [0] : vector<32x512xf32> to vector<512xf32>
    %broadcast_in_dim3A = vector.shape_cast %reduce_sum3A_13 : vector<512xf32> to vector<1x512xf32>
    %get3A_14 = arith.constant 0 : index
    %get3A_15 = arith.constant 0 : index
    %get3A_16 = vector.load %arg1[%get3A_14, %get3A_15] : memref<32x512xf32, #tpu.memory_space<vmem>>, vector<32x512xf32>
    %reduce_sum3A_17 = arith.constant dense<0.000000e+00> : vector<512xf32>
    %reduce_sum3A_18 = vector.multi_reduction <add>, %get3A_16, %reduce_sum3A_17 [0] : vector<32x512xf32> to vector<512xf32>
    %broadcast_in_dim3A_19 = vector.shape_cast %reduce_sum3A_18 : vector<512xf32> to vector<1x512xf32>
    %max3A = arith.constant 1.000000e+00 : f32
    %max3A_20 = vector.broadcast %max3A : f32 to vector<1x512xf32>
    %max3A_21 = arith.maximumf %broadcast_in_dim3A_19, %max3A_20 : vector<1x512xf32>
    %div3A = arith.divf %broadcast_in_dim3A, %max3A_21 : vector<1x512xf32>
    %gt3A = arith.constant 0.000000e+00 : f32
    %gt3A_22 = vector.broadcast %gt3A : f32 to vector<1x512xf32>
    %gt3A_23 = arith.cmpf ogt, %broadcast_in_dim3A_19, %gt3A_22 : vector<1x512xf32>
    %jit3A = arith.constant 0.000000e+00 : f32
    %broadcast_in_dim3A_24 = vector.broadcast %reduce_sum3A_8 : f32 to vector<1x512xf32>
    %broadcast_in_dim3A_25 = vector.broadcast %jit3A : f32 to vector<1x512xf32>
    %select_n3A = arith.select %gt3A_23, %broadcast_in_dim3A_24, %broadcast_in_dim3A_25 : vector<1x512xi1>, vector<1x512xf32>
    %add3A = arith.addf %div3A, %select_n3A : vector<1x512xf32>
    %get3A_26 = arith.constant 0 : index
    %get3A_27 = arith.constant 0 : index
    %get3A_28 = vector.load %arg4[%get3A_26, %get3A_27] : memref<1x512xf32, #tpu.memory_space<vmem>>, vector<1x512xf32>
    %add3A_29 = arith.addf %add3A, %get3A_28 : vector<1x512xf32>
    %swap3A = arith.constant 0 : index
    %swap3A_30 = arith.constant 0 : index
    %swap3A_31 = vector.load %arg5[%swap3A, %swap3A_30] : memref<1x512xf32, #tpu.memory_space<vmem>>, vector<1x512xf32>
    tpu.vector_store %arg5[%swap3A, %swap3A_30], %add3A_29 {strides = array<i32>} : memref<1x512xf32, #tpu.memory_space<vmem>>, vector<1x512xf32>,
    return
  }
}

</mosaic_0001>

<sc_bundles>
// kernel: kernel.5.cloned.1.call-start
scs
__scs_entry_jumppad:
0x0: {  	(pc) =	sbr.rel $0x88, $3  }
0x1: {  	(tag) =	ssettag $0x0;
	lr =	simm.s32 $0x1  }
0x2: {  	[smem:$0x3F9A] =	sst lr;
	_ =	strace $0xD0000000  }
0x3: {  	_ = 	snop  }
0x4: {  	_ = 	snop  }
0x5: {  	_ = 	snop  }
0x6: {  	_ = 	snop  }
0x7: {  	_ = 	snop  }
__scs_overlays_trampoline_lowered:
0x8: {  	[smem:$0x3FA9] =	sst s0  }
0x9: {  	[smem:$0x3FAA] =	sst s1  }
0xa: {  	[smem:$0x3FAB] =	sst s2  }
0xb: {  	[smem:$0x3FAC] =	sst s3  }
0xc: {  	[smem:$0x3FAD] =	sst s4  }
0xd: {  	[smem:$0x3FAE] =	sst s5  }
0xe: {  	[smem:$0x3FAF] =	sst s6  }
0xf: {  	[smem:$0x3FB0] =	sst s7  }
0x10: {  	[smem:$0x3FB1] =	sst s8  }
0x11: {  	[smem:$0x3FB2] =	sst s9;
	s0 =	simm.s32 @!p0 $0x0  }
0x12: {  	s1 =	sld [smem:$0x3F98];
	s0 =	simm.s32 @p0 $0x1  }
0x13: {  	[smem:$0x3FB3] =	sst s0;
	s0 =	simm.s32 @!p1 $0x0  }
0x14: {  	s2 =	sld [smem:$0x3F97];
	s0 =	simm.s32 @p1 $0x1  }
0x15: {  	[smem:$0x3FB4] =	sst s0;
	s0 =	simm.s32 @!p2 $0x0  }
0x16: {  	s3 =	sld [smem:$0x3FDB];
	s0 =	simm.s32 @p2 $0x1  }
0x17: {  	s4 =	simm.s32 $0x1BF5;
	[smem:$0x3FB6] =	sst s0  }
0x18: {  	s0 =	sld [smem:$0x3F99];
	_ =	swait.ge [sflag:s4], $0x0  }
0x19: {  	s7 =	sld [smem:$0x3F9A]  }
0x1a: {  	s8 =	sadd.s32 $0xFFFFE003, lr  }
0x1b: {  	s9 =	sadd.s32 $0xFFFFFEF7, lr;
	s5 =	simm.s32 $0xFFFFFFFF;
	p2 =	slt.u32 s8, $0xFFFFF086  }
0x1c: {  	p1 =	slt.u32 s9, $0xF7A;
	s5 =	simm.s32 @!p2 $0x0  }
0x1d: {  	s5 =	simm.s32 @p1 $0x1;
	p0 =	seq.s32 s7, s2  }
0x1e: {  	s7 =	smul.u32 @!p0 $0xF7A, s2;
	p2 =	seq.s32 @!p0 s5, $0x0  }
0x1f: {  	s9 =	smul.u32 $0xF7A, s1;
	s8 =	simm.s32 @!p0 $0x1BF5;
	p2 =	por !p2, p0  }
0x20: {  	[sflag:s8] =	ssyncset.s32 @!p0 $0xFFFFF086;
	s6 =	sadd.s32 @!p0 s3, s7;
	s7 =	simm.s32 @!p0 $0x108  }
0x21: {  	s3 =	sadd.s32 s3, s9;
	s6 =	sadd.s32 @!p0 $0x88, s6;
	s7 =	simm.s32 @p2 $0x1082  }
0x22: {  	[simem:s7], [sflag:s8] =	dma.local @!p0 [hbm:s6], $0xF7A  }
0x23: {  	s9 =	sor.u32 $0xD0000000, s2;
	s6 =	simm.s32 $0x108;
	_ =	swait.ge @!p0 [sflag:s8], $0x0  }
0x24: {  	s3 =	sadd.s32 $0x88, s3;
	s6 =	simm.s32 @!p1 $0x1082;
	[sflag:s4] =	ssyncset.s32 $0xFFFFF086  }
0x25: {  	[simem:s6], [sflag:s4] =	dma.local [hbm:s3], $0xF7A  }
0x26: {  	[smem:$0x3F9A] =	sst s1;
	(tag) =	ssettag s2;
	_ =	strace s9  }
0x27: {  	s1 =	sld [smem:$0x3FAA]  }
0x28: {  	s2 =	sld [smem:$0x3FAB]  }
0x29: {  	s4 =	sld [smem:$0x3FAD]  }
0x2a: {  	p0 =	seq.s32 s5, $0x0;
	s5 =	sld [smem:$0x3FAE]  }
0x2b: {  	s6 =	sld [smem:$0x3FAF]  }
0x2c: {  	s7 =	sld [smem:$0x3FB0]  }
0x2d: {  	s3 =	simm.s32 $0x108;
	s8 =	sld [smem:$0x3FB1]  }
0x2e: {  	s3 =	simm.s32 @!p0 $0x1082;
	s9 =	sld [smem:$0x3FB2]  }
0x2f: {  	lr =	sadd.s32 s0, s3;
	s0 =	sld [smem:$0x3FA9]  }
0x30: {  	s3 =	sld [smem:$0x3FAC]  }
0x31: {  	[smem:$0x3FB5] =	sst s10  }
0x32: {  	s10 =	sld [smem:$0x3FB3];
	_ =	sdelay $0x3  }
0x33: {  	p0 =	seq.s32 s10, $0x1;
	s10 =	sld [smem:$0x3FB5];
	_ =	sdelay $0x3  }
0x34: {  	[smem:$0x3FB5] =	sst s10  }
0x35: {  	s10 =	sld [smem:$0x3FB4];
	_ =	sdelay $0x3  }
0x36: {  	p1 =	seq.s32 s10, $0x1;
	s10 =	sld [smem:$0x3FB5];
	_ =	sdelay $0x3  }
0x37: {  	[smem:$0x3FB5] =	sst s10  }
0x38: {  	s10 =	sld [smem:$0x3FB6]  }
0x39: {  	_ = 	snop;
	(pc) =	sbr.ind lr, $3  }
0x3a: {  	_ = 	snop  }
0x3b: {  	_ = 	snop  }
0x3c: {  	p2 =	seq.s32 s10, $0x1;
	s10 =	sld [smem:$0x3FB5]  }
0x3d: {  	_ =	shalt  }
0x3e: {  	_ =	shalt  }
0x3f: {  	_ =	shalt  }
0x40: {  	_ =	shalt  }
0x41: {  	_ =	shalt  }
0x42: {  	_ =	shalt  }
0x43: {  	_ =	shalt  }
0x44: {  	_ =	shalt  }
0x45: {  	_ =	shalt  }
0x46: {  	_ =	shalt  }
0x47: {  	_ =	shalt  }
0x48: {  	_ =	shalt  }
0x49: {  	_ =	shalt  }
0x4a: {  	_ =	shalt  }
0x4b: {  	_ =	shalt  }
0x4c: {  	_ =	shalt  }
0x4d: {  	_ =	shalt  }
0x4e: {  	_ =	shalt  }
0x4f: {  	_ =	shalt  }
0x50: {  	_ =	shalt  }
0x51: {  	_ =	shalt  }
0x52: {  	_ =	shalt  }
0x53: {  	_ =	shalt  }
0x54: {  	_ =	shalt  }
0x55: {  	_ =	shalt  }
0x56: {  	_ =	shalt  }
0x57: {  	_ =	shalt  }
0x58: {  	_ =	shalt  }
0x59: {  	_ =	shalt  }
0x5a: {  	_ =	shalt  }
0x5b: {  	_ =	shalt  }
0x5c: {  	_ =	shalt  }
0x5d: {  	_ =	shalt  }
0x5e: {  	_ =	shalt  }
0x5f: {  	_ =	shalt  }
0x60: {  	_ =	shalt  }
0x61: {  	_ =	shalt  }
0x62: {  	_ =	shalt  }
0x63: {  	_ =	shalt  }
0x64: {  	_ =	shalt  }
0x65: {  	_ =	shalt  }
0x66: {  	_ =	shalt  }
0x67: {  	_ =	shalt  }
0x68: {  	_ =	shalt  }
0x69: {  	_ =	shalt  }
0x6a: {  	_ =	shalt  }
0x6b: {  	_ =	shalt  }
0x6c: {  	_ =	shalt  }
0x6d: {  	_ =	shalt  }
0x6e: {  	_ =	shalt  }
0x6f: {  	_ =	shalt  }
0x70: {  	_ =	shalt  }
0x71: {  	_ =	shalt  }
0x72: {  	_ =	shalt  }
0x73: {  	_ =	shalt  }
0x74: {  	_ =	shalt  }
0x75: {  	_ =	shalt  }
0x76: {  	_ =	shalt  }
0x77: {  	_ =	shalt  }
0x78: {  	_ =	shalt  }
0x79: {  	_ =	shalt  }
0x7a: {  	_ =	shalt  }
0x7b: {  	_ =	shalt  }
0x7c: {  	_ =	shalt  }
0x7d: {  	_ =	shalt  }
0x7e: {  	_ =	shalt  }
0x7f: {  	_ =	shalt  }
0x80: {  	_ =	shalt  }
0x81: {  	_ =	shalt  }
0x82: {  	_ =	shalt  }
0x83: {  	_ =	shalt  }
0x84: {  	_ =	shalt  }
0x85: {  	_ =	shalt  }
0x86: {  	_ =	shalt  }
0x87: {  	_ =	shalt  }
.Lfunc_end0:
.L_simem_size_0:
called_computation_lowered:
.L_overlay_start_0:
0x88: {  	s2 =	sld [smem:$0x3FD9]  }
0x89: {  	s3 =	sld [smem:$0x3FFE];
	_ =	sdelay $0x1  }
0x8a: {  	s1 =	srdreg.scid  }
0x8b: {  	s0 =	sand.u32 $0x1, s1  }
0x8c: {  	s16 =	sshll.u32 s0, $0xA;
	s2 =	sadd.s32 s3, s2  }
0x8d: {  	s2 =	sadd.s32 s2, s16  }
0x8e: {  	[smem:$0x3FC1] =	sst s2  }
0x8f: {  	_ = 	snop  }
0x90: {  	(tm) =	ssettm $0x1  }
0x91: {  	s17 =	sld [smem:$0x3FFB];
	_ =	sdelay $0x3  }
0x92: {  	_ =	strace s17  }
0x93: {  	s2 =	sld [smem:$0x3FFC];
	_ =	sdelay $0x3  }
0x94: {  	_ =	strace s2  }
0x95: {  	s2 =	sld [smem:$0x3FFD];
	_ =	sdelay $0x3  }
0x96: {  	_ =	strace s2  }
0x97: {  	_ =	strace $0x8FFFFFFF  }
0x98: {  	s18 =	sld [smem:$0x3FDB];
	_ =	sdelay $0x1  }
0x99: {  	s19 =	simm.s32 $_scs_section_size  }
0x9a: {  	s4 =	simm.s32 $_size__tile_overlayer_lowered;
	s5 =	simm.s32 $_tile_overlayer_lowered  }
0x9b: {  	s22 =	simm.s32 $0x1BFF;
	s21 =	sshll.u32 s5, $0x1;
	s2 =	sadd.s32 s19, s18  }
0x9c: {  	s6 =	simm.s32 $0x0;
	s20 =	sshll.u32 s4, $0x1;
	s4 =	sadd.s32 s21, s2  }
0x9d: {  	[timem:s6], [sflag:s22] =	dma.local [hbm:s4], s20  }
0x9e: {  	_ =	swait.ge [sflag:s22], s20  }
0x9f: {  	s3 =	ssub.s32 $0x0, s20;
	[sflag:s22] =	ssyncset.done $0x0  }
0xa0: {  	[sflag:s22] =	ssyncadd.s32 s3;
	_ =	sdelay $0x1  }
0xa1: {  	s23 =	simm.s32 $0x1B8B  }
0xa2: {  	_ =	swait.ge [sflag:s23], $0x1  }
0xa3: {  	[sflag:s23] =	ssyncset.done $0x0  }
0xa4: {  	s25 =	simm.s32 $0x1B8E;
	s24 =	sld [smem:$0x3FFE];
	[sflag:s23] =	ssyncadd.s32 $0xFFFFFFFF  }
0xa5: {  	s26 =	simm.s32 $execute0_lowered;
	[smem:$0x3FD2] =	sst s25  }
0xa6: {  	s4 =	sshll.u32 s26, $0x1;
	_ =	strace $0x80000046;
	[dreg:$0x1] =	wrdreg $0xFFFFFFFF  }
0xa7: {  	s28 =	simm.s32 $_size_execute0_lowered;
	s2 =	sadd.s32 s2, s4;
	[dreg:$0x0] =	wrdreg $0x0  }
0xa8: {  	s4 =	sshll.u32 s28, $0x1;
	[dreg:$0x2] =	wrdreg s2  }
0xa9: {  	[dreg:$0x3] =	wrdreg s4  }
0xaa: {  	[dreg:$0x4] =	wrdreg $0xC0  }
0xab: {  	_ =	task [dreg:s6], $0x5FFFF  }
0xac: {  	[dreg:$0x1] =	wrdreg $0xFFFFFFFF  }
0xad: {  	[dreg:$0x0] =	wrdreg $0x60  }
0xae: {  	[dreg:$0x2] =	wrdreg s24  }
0xaf: {  	[dreg:$0x3] =	wrdreg $0x9  }
0xb0: {  	_ =	task.clear_ibuf [dreg:s6], $0x4FFFF;
	_ =	strace $0x90000046  }
0xb1: {  	s29 =	simm.s32 $0x9;
	_ =	strace $0x80000048  }
0xb2: {  	_ =	swait.ge [sflag:s29], $0x1  }
0xb3: {  	[sflag:s29] =	ssyncadd.s32 $0xFFFFFFFF  }
0xb4: {  	_ =	strace $0x90000048  }
0xb5: {  	_ =	sfence  }
0xb6: {  	s30 =	sld [smem:$0x0];
	_ =	sdelay $0x2  }
0xb7: {  	s31 =	sshll.u32 s1, $0xD;
	s1 =	sshrl.u32 s1, $0x2  }
0xb8: {  	s3 =	sand.u32 $0x4000, s31;
	s1 =	sadd.s32 s1, s30  }
0xb9: {  	s0 =	sor.u32 s3, s0;
	s1 =	sshll.u32 s1, $0x11  }
0xba: {  	s0 =	sor.u32 s1, s0  }
0xbb: {  	s0 =	sadd.s32 $0x8F2B, s0  }
0xbc: {  	[sflag:s0] =	ssyncadd.remote.s32 $0x1  }
0xbd: {  	_ =	sfence.sel $0xFFFF  }
0xbe: {  	[dreg:$0x0] =	wrdreg $0xFFFFFFFF;
	(pc) =	sbr.abs _section_cstart, $3  }
0xbf: {  	[dreg:$0x1] =	wrdreg $0xFFFFFFFF  }
0xc0: {  	_ =	task.clear_ibuf [dreg:s6], $0x2FFFF;
	_ =	strace $0x9FFFFFFF  }
0xc1: {  	(tm) =	ssettm $0x7FFFFFFF  }
tec
execute0_lowered:
.L_overlay_start_1:
0x0: {  	(tag) =	ssettag $0x1  }
0x1: {  	s1 =	srdreg.scid;
	s0 =	stileid.u32  }
0x2: {  	s3 =	rddreg [dreg:$0x0];
	s2 =	simm.s32 $0x0;
	s8 =	simm.s32 $0x1  }
0x3: {  	s9 =	simm.s32 $0xC80;
	s10 =	simm.s32 $0x1900;
	s11 =	simm.s32 $0x1B80  }
0x4: {  	s12 =	simm.s32 $0x80;
	s13 =	simm.s32 $0x400;
	s14 =	simm.s32 $0x0  }
0x5: {  	s4 =	sand.u32 $0x1, s1;
	s5 =	sshll.u32 s0, $0x1;
	s1 =	rddreg [dreg:$0x1]  }
0x6: {  	[smem:$0x7FF] =	sst s2;
	s6 =	sshll.u32 s0, $0x7;
	s5 =	sor.u32 s4, s5  }
0x7: {  	s4 =	ssub.s32 $0x2, s4;
	s7 =	sshll.u32 s5, $0x4;
	s5 =	smul.u32 $0x188, s5  }
0x8: {  	_ =	strace $0x80000047;
	s31 =	sshrl.u32 s4, $0x1;
	s6 =	sor.u32 s6, s7  }
0x9: {  	s7 =	ssub.s32 s4, s31;
	s6 =	sand.u32 $0x670, s6;
	s5 =	sadd.s32 s5, s3  }
0xa: {  	s7 =	smax.u32 s7, $0x1;
	s6 =	sadd.s32 s6, s3;
	s3 =	sadd.s32 $0x189400, s5  }
0xb: {  	v0 =	vimm.f32 $0.0e+00;
	v1 =	vimm.f32 $1.000000000e+00;
	s4 =	sadd.s32 $0x1400, s5;
	s5 =	sadd.s32 $0x4600, s6;
	s6 =	sadd.s32 $0x4E00, s6  }
.LBB2_1:
0xc: {  	[tilespmem:s2], [sflag:$0x1] =	stream.linear.gather [hbm4b:s3+s2], $0xC40, $0x38;
	[tilespmem:$0x1E00] =	vst v63  }
0xd: {  	_ =	swait.ge [sflag:s8], $0xC40  }
0xe: {  	[sflag:s8] =	ssyncset.done $0x0  }
0xf: {  	[sflag:s8] =	ssyncadd.s32 $0xFFFFF3C0  }
0x10: {  	[tilespmem:s9], [sflag:$0x1] =	stream.linear.gather [hbm4b:s4+s2], $0xC40, $0x38;
	[tilespmem:$0x1E00] =	vst v63  }
0x11: {  	_ =	swait.ge [sflag:s8], $0xC40  }
0x12: {  	[sflag:s8] =	ssyncset.done $0x0  }
0x13: {  	s15 =	simm.s32 $0x0;
	[sflag:s8] =	ssyncadd.s32 $0xFFFFF3C0  }
.LBB2_2:
0x14: {  	p0 =	sne.s32 s15, $0x800  }
.Ltmp0:
0x15: {  	_ = 	snop;
	(pc) =	sbr.rel @p0 .LBB2_2-.Ltmp0, $4  }
0x16: {  	_ = 	snop  }
0x17: {  	s16 =	sshra.s32 s15, $0x2  }
0x18: {  	[tilespmem:s16+$0x1900] =	vst v0  }
0x19: {  	s15 =	sadd.s32 $0x40, s15;
	[tilespmem:s16+$0x1B80] =	vst v0  }
0x1a: {  	s16 =	simm.s32 $0x0  }
0x1b: {  	s15 =	simm.s32 $0x40;
	v2 =	vld [tilespmem:s16+$0xC80]  }
.LBB2_4:
0x1c: {  	p0 =	sne.s32 s15, $0x30C0;
	_ =	sdelay $0x1  }
0x1d: {  	v3 =	vld [tilespmem:s16+$0x0];
	_ =	sdelay $0x2  }
.Ltmp1:
0x1e: {  	(pc) =	sbr.rel @p0 .LBB2_4-.Ltmp1, $4  }
0x1f: {  	_ = 	snop  }
0x20: {  	[tilespmem:v2+s10+$0x0] =	vst.idx.add.f32.msk $0xffff, v3  }
0x21: {  	s16 =	sshra.s32 s15, $0x2;
	[tilespmem:v2+s11+$0x0] =	vst.idx.add.f32.msk $0xffff, v1  }
0x22: {  	s15 =	sadd.s32 $0x40, s15;
	v2 =	vld [tilespmem:s16+$0xC80]  }
0x23: {  	_ =	sdelay $0x2  }
0x24: {  	v3 =	vld [tilespmem:s16+$0x0];
	_ =	sdelay $0x4  }
0x25: {  	[tilespmem:v2+s10+$0x0] =	vst.idx.add.f32.msk $0xffff, v3  }
0x26: {  	[tilespmem:v2+s11+$0x0] =	vst.idx.add.f32.msk $0xffff, v1  }
0x27: {  	[hbm4b:s5+s12] =	stream.strided.scatter [tilespmem:s10], [sflag:$0x1], $0x200, s13, s12, $0x38;
	[tilespmem:$0x1E00] =	vst v63  }
0x28: {  	s14 =	sadd.s32 $0x1, s14;
	_ =	swait.ge [sflag:s8], $0x200  }
0x29: {  	p0 =	sne.s32 s14, s7;
	[sflag:s8] =	ssyncset.done $0x0  }
.Ltmp2:
0x2a: {  	[sflag:s8] =	ssyncadd.s32 $0xFFFFFE00;
	(pc) =	sbr.rel @p0 .LBB2_1-.Ltmp2, $4  }
0x2b: {  	[hbm4b:s6+s12] =	stream.strided.scatter [tilespmem:s11], [sflag:$0x1], $0x200, s13, s12, $0x38;
	[tilespmem:$0x1E00] =	vst v63  }
0x2c: {  	_ =	swait.ge [sflag:s8], $0x200  }
0x2d: {  	[sflag:s8] =	ssyncset.done $0x0  }
0x2e: {  	[sflag:s8] =	ssyncadd.s32 $0xFFFFFE00  }
0x2f: {  	_ =	sfence.sel $0x180000  }
0x30: {  	[bflag:$0x0] =	sbarrier.arrive $0xFFFF  }
0x31: {  	p0 =	sne.s32 s0, $0x0;
	_ =	strace $0x90000047  }
0x32: {  	s0 =	sadd.s32 @!p0 $0x100000, s1;
	[bflag:$0x2] =	sbarrier.arrive $0xFFFF  }
0x33: {  	[sflag:s0] =	ssyncadd.tile.s32 @!p0 $0x1;
	_ =	shalt  }
.Lfunc_end2:
_tile_overlayer_lowered:
.L_overlay_start_2:
0x34: {  	(tag) =	ssettag $0x2  }
0x35: {  	s0 =	rddreg [dreg:$0x0];
	s2 =	stileid.u32  }
0x36: {  	s1 =	rddreg [dreg:$0x1];
	p0 =	sne.s32 s2, $0x0  }
0x37: {  	s3 =	rddreg [dreg:$0x2];
	[bflag:$0x3] =	sbarrier.arrive $0xFFFF;
	s2 =	simm.s32 @!p0 $0x1C01  }
0x38: {  	[timem:s3], [sflag:s2] =	dma.local @!p0 [hbm:s0], s1  }
0x39: {  	s0 =	simm.s32 @!p0 $0x1  }
0x3a: {  	_ =	swait.ge @!p0 [sflag:s0], s1  }
0x3b: {  	s1 =	ssub.s32 @!p0 $0x0, s1;
	[sflag:s0] =	ssyncset.done @!p0 $0x0  }
0x3c: {  	[sflag:s0] =	ssyncadd.s32 @!p0 s1  }
0x3d: {  	[bflag:$0x3] =	sbarrier.arrive $0xFFFF  }
0x3e: {  	_ =	shalt  }

</sc_bundles>
